<compile_context>
chip_gen: v7x
topology: tpu7x:2x2x1
jax: 0.10.2.dev20260603
libtpu: 0.0.44.dev20260713+nightly
codegen_flags: <defaults>
</compile_context>

<pallas_src>
import jax
import jax.numpy as jnp
from jax import lax
from jax.experimental import pallas as pl
from jax.experimental.pallas import tpu as pltpu
from jax.experimental.pallas import tpu_sc as plsc

D_MODEL = 4096
SEQ_LEN = 64
NUM_CORES = 2
NUM_SUBCORES = 16
NUM_WORKERS = NUM_CORES * NUM_SUBCORES
COLS = D_MODEL // NUM_WORKERS
LANES = 16
CCHUNKS = COLS // LANES


def _pe_body(abs_hbm, file_hbm, rank_hbm, diag_hbm, anti_hbm, out_hbm,
             acc, fb, rb, db, ab, sem):
    wid = lax.axis_index("s") * NUM_CORES + lax.axis_index("c")
    col0 = wid * COLS

    copies = [
        pltpu.async_copy(abs_hbm.at[:, pl.ds(col0, COLS)], acc, sem),
        pltpu.async_copy(file_hbm.at[:, pl.ds(col0, COLS)], fb, sem),
        pltpu.async_copy(rank_hbm.at[:, pl.ds(col0, COLS)], rb, sem),
        pltpu.async_copy(diag_hbm.at[:, pl.ds(col0, COLS)], db, sem),
        pltpu.async_copy(anti_hbm.at[:, pl.ds(col0, COLS)], ab, sem),
    ]
    for c in copies:
        c.wait()

    @plsc.parallel_loop(0, SEQ_LEN, unroll=2)
    def row_body(i):
        k = lax.div(i, 8)
        f = lax.rem(i, 8)
        dg = k + f
        ad = k - f + 7
        ts = []
        for c in range(CCHUNKS):
            off = c * LANES
            ts.append((fb[f, pl.ds(off, LANES)] + rb[k, pl.ds(off, LANES)])
                      + (db[dg, pl.ds(off, LANES)] + ab[ad, pl.ds(off, LANES)]))
        for c in range(CCHUNKS):
            plsc.addupdate(acc.at[i, pl.ds(c * LANES, LANES)], ts[c])

    pltpu.sync_copy(acc, out_hbm.at[:, pl.ds(col0, COLS)])


@jax.jit
def _pos_encoding(abs_pos2d, file_table, rank_table, diag_table, anti_diag_table):
    run = pl.kernel(
        _pe_body,
        out_type=jax.ShapeDtypeStruct((SEQ_LEN, D_MODEL), jnp.float32),
        mesh=plsc.VectorSubcoreMesh(
            core_axis_name="c", subcore_axis_name="s",
            num_cores=NUM_CORES, num_subcores=NUM_SUBCORES),
        scratch_types=[
            pltpu.VMEM((SEQ_LEN, COLS), jnp.float32),
            pltpu.VMEM((8, COLS), jnp.float32),
            pltpu.VMEM((8, COLS), jnp.float32),
            pltpu.VMEM((15, COLS), jnp.float32),
            pltpu.VMEM((15, COLS), jnp.float32),
            pltpu.SemaphoreType.DMA,
        ],
    )
    return run(abs_pos2d, file_table, rank_table, diag_table, anti_diag_table)


def kernel(x, abs_pos, file_table, rank_table, diag_table, anti_diag_table):
    del x
    out = _pos_encoding(abs_pos.reshape(SEQ_LEN, D_MODEL),
                        file_table, rank_table, diag_table, anti_diag_table)
    return out.reshape(1, SEQ_LEN, D_MODEL)

# --- scband reference (transcript-rebuilt; emitter-appended) ---
"""Pipeline reference for scband-chess-positional-encoding-37074157699396 (READ-ONLY COPY).

The authoritative reference and input builder live on the scoring server;
editing this copy changes nothing except your own understanding.
"""

import jax, jax.numpy as jnp
import numpy as np

D_MODEL = 4096
SEQ_LEN = 64

def setup_inputs(seed: int = 0) -> dict:
    key = jax.random.key(seed)
    ks = jax.random.split(key, 6)
    x = jax.random.normal(ks[0], (256, SEQ_LEN, D_MODEL), dtype=jnp.float32)
    abs_pos = jax.random.normal(ks[1], (1, SEQ_LEN, D_MODEL), dtype=jnp.float32) * 0.02
    file_table = jax.random.normal(ks[2], (8, D_MODEL), dtype=jnp.float32) * 0.02
    rank_table = jax.random.normal(ks[3], (8, D_MODEL), dtype=jnp.float32) * 0.02
    diag_table = jax.random.normal(ks[4], (15, D_MODEL), dtype=jnp.float32) * 0.02
    anti_diag_table = jax.random.normal(ks[5], (15, D_MODEL), dtype=jnp.float32) * 0.02
    return {"x": x, "abs_pos": abs_pos, "file_table": file_table, "rank_table": rank_table, "diag_table": diag_table, "anti_diag_table": anti_diag_table}

def reference(x, abs_pos, file_table, rank_table, diag_table, anti_diag_table):
    seq_len = x.shape[1]
    assert seq_len == 64, 'This positional encoding is designed for an 8x8 board.'
    positions = jnp.arange(seq_len)
    files = positions % 8
    ranks = positions // 8
    diagonals = ranks + files
    anti_diagonals = ranks - files + 7
    file_emb = jnp.take(file_table, files, axis=0)
    rank_emb = jnp.take(rank_table, ranks, axis=0)
    diag_emb = jnp.take(diag_table, diagonals, axis=0)
    anti_diag_emb = jnp.take(anti_diag_table, anti_diagonals, axis=0)
    total_pos_embedding = abs_pos[:, :seq_len, :] + file_emb + rank_emb + diag_emb + anti_diag_emb
    return total_pos_embedding

if __name__ == "__main__":
    import jax
    _d = setup_inputs()
    print(jax.jit(kernel)(*tuple(_d.values())))

</pallas_src>

<mosaic_0001>
#map = affine_map<(d0, d1) -> (0, 0)>
module attributes {stable_mosaic.version = 14 : i64} {
  func.func @_pe_body(%arg0: i32, %arg1: i32, %arg2: memref<64x4096xf32, #tpu.memory_space<hbm>>, %arg3: memref<8x4096xf32, #tpu.memory_space<hbm>>, %arg4: memref<8x4096xf32, #tpu.memory_space<hbm>>, %arg5: memref<15x4096xf32, #tpu.memory_space<hbm>>, %arg6: memref<15x4096xf32, #tpu.memory_space<hbm>>, %arg7: memref<64x4096xf32, #tpu.memory_space<hbm>>, %arg8: memref<64x128xf32, #tpu.memory_space<vmem>>, %arg9: memref<8x128xf32, #tpu.memory_space<vmem>>, %arg10: memref<8x128xf32, #tpu.memory_space<vmem>>, %arg11: memref<15x128xf32, #tpu.memory_space<vmem>>, %arg12: memref<15x128xf32, #tpu.memory_space<vmem>>, %arg13: memref<!tpu.dma_semaphore, #tpu.memory_space<semaphore_mem>>) attributes {dimension_semantics = [#tpu.dimension_semantics<core_parallel>, #tpu.dimension_semantics<subcore_parallel>], iteration_bounds = array<i64: 2, 16>, scalar_prefetch = 0 : i64, scratch_operands = 6 : i64, tpu.core_type = #tpu.core_type<sc_vector_subcore>, window_params = [{transform_indices = #map}, {transform_indices = #map}, {transform_indices = #map}, {transform_indices = #map}, {transform_indices = #map}, {transform_indices = #map}]} {
    %mul3A = arith.constant 2 : i32
    %mul3A_0 = arith.muli %arg1, %mul3A : i32
    %add3A = arith.addi %mul3A_0, %arg0 : i32
    %mul3A_1 = arith.constant 128 : i32
    %mul3A_2 = arith.muli %add3A, %mul3A_1 : i32
    %dma_start3A = arith.constant 0 : i32
    %dma_start3A_3 = tpu.memref_slice %arg2[%dma_start3A, %mul3A_2] : memref<64x4096xf32, #tpu.memory_space<hbm>> -> memref<64x128xf32, #tpu.memory_space<hbm>>
    %dma_start3A_4 = arith.constant 0 : i32
    %dma_start3A_5 = tpu.memref_slice %arg2[%dma_start3A_4, %mul3A_2] : memref<64x4096xf32, #tpu.memory_space<hbm>> -> memref<64x128xf32, #tpu.memory_space<hbm>>
    tpu.enqueue_dma source(%dma_start3A_5 : memref<64x128xf32, #tpu.memory_space<hbm>>) target(%arg8 : memref<64x128xf32, #tpu.memory_space<vmem>>) target_semaphore(%arg13 : memref<!tpu.dma_semaphore, #tpu.memory_space<semaphore_mem>>)
    %dma_start3A_6 = arith.constant 0 : i32
    %dma_start3A_7 = tpu.memref_slice %arg3[%dma_start3A_6, %mul3A_2] : memref<8x4096xf32, #tpu.memory_space<hbm>> -> memref<8x128xf32, #tpu.memory_space<hbm>>
    %dma_start3A_8 = arith.constant 0 : i32
    %dma_start3A_9 = tpu.memref_slice %arg3[%dma_start3A_8, %mul3A_2] : memref<8x4096xf32, #tpu.memory_space<hbm>> -> memref<8x128xf32, #tpu.memory_space<hbm>>
    tpu.enqueue_dma source(%dma_start3A_9 : memref<8x128xf32, #tpu.memory_space<hbm>>) target(%arg9 : memref<8x128xf32, #tpu.memory_space<vmem>>) target_semaphore(%arg13 : memref<!tpu.dma_semaphore, #tpu.memory_space<semaphore_mem>>)
    %dma_start3A_10 = arith.constant 0 : i32
    %dma_start3A_11 = tpu.memref_slice %arg4[%dma_start3A_10, %mul3A_2] : memref<8x4096xf32, #tpu.memory_space<hbm>> -> memref<8x128xf32, #tpu.memory_space<hbm>>
    %dma_start3A_12 = arith.constant 0 : i32
    %dma_start3A_13 = tpu.memref_slice %arg4[%dma_start3A_12, %mul3A_2] : memref<8x4096xf32, #tpu.memory_space<hbm>> -> memref<8x128xf32, #tpu.memory_space<hbm>>
    tpu.enqueue_dma source(%dma_start3A_13 : memref<8x128xf32, #tpu.memory_space<hbm>>) target(%arg10 : memref<8x128xf32, #tpu.memory_space<vmem>>) target_semaphore(%arg13 : memref<!tpu.dma_semaphore, #tpu.memory_space<semaphore_mem>>)
    %dma_start3A_14 = arith.constant 0 : i32
    %dma_start3A_15 = tpu.memref_slice %arg5[%dma_start3A_14, %mul3A_2] : memref<15x4096xf32, #tpu.memory_space<hbm>> -> memref<15x128xf32, #tpu.memory_space<hbm>>
    %dma_start3A_16 = arith.constant 0 : i32
    %dma_start3A_17 = tpu.memref_slice %arg5[%dma_start3A_16, %mul3A_2] : memref<15x4096xf32, #tpu.memory_space<hbm>> -> memref<15x128xf32, #tpu.memory_space<hbm>>
    tpu.enqueue_dma source(%dma_start3A_17 : memref<15x128xf32, #tpu.memory_space<hbm>>) target(%arg11 : memref<15x128xf32, #tpu.memory_space<vmem>>) target_semaphore(%arg13 : memref<!tpu.dma_semaphore, #tpu.memory_space<semaphore_mem>>)
    %dma_start3A_18 = arith.constant 0 : i32
    %dma_start3A_19 = tpu.memref_slice %arg6[%dma_start3A_18, %mul3A_2] : memref<15x4096xf32, #tpu.memory_space<hbm>> -> memref<15x128xf32, #tpu.memory_space<hbm>>
    %dma_start3A_20 = arith.constant 0 : i32
    %dma_start3A_21 = tpu.memref_slice %arg6[%dma_start3A_20, %mul3A_2] : memref<15x4096xf32, #tpu.memory_space<hbm>> -> memref<15x128xf32, #tpu.memory_space<hbm>>
    tpu.enqueue_dma source(%dma_start3A_21 : memref<15x128xf32, #tpu.memory_space<hbm>>) target(%arg12 : memref<15x128xf32, #tpu.memory_space<vmem>>) target_semaphore(%arg13 : memref<!tpu.dma_semaphore, #tpu.memory_space<semaphore_mem>>)
    %dma_wait3A = arith.constant 0 : i32
    %dma_wait3A_22 = tpu.memref_slice %arg2[%dma_wait3A, %mul3A_2] : memref<64x4096xf32, #tpu.memory_space<hbm>> -> memref<64x128xf32, #tpu.memory_space<hbm>>
    %dma_wait3A_23 = arith.constant 0 : i32
    %dma_wait3A_24 = tpu.memref_slice %arg2[%dma_wait3A_23, %mul3A_2] : memref<64x4096xf32, #tpu.memory_space<hbm>> -> memref<64x128xf32, #tpu.memory_space<hbm>>
    tpu.wait_dma2 semaphore(%arg13 : memref<!tpu.dma_semaphore, #tpu.memory_space<semaphore_mem>>) src(%dma_wait3A_24 : memref<64x128xf32, #tpu.memory_space<hbm>>) dst(%arg8 : memref<64x128xf32, #tpu.memory_space<vmem>>)
    %dma_wait3A_25 = arith.constant 0 : i32
    %dma_wait3A_26 = tpu.memref_slice %arg3[%dma_wait3A_25, %mul3A_2] : memref<8x4096xf32, #tpu.memory_space<hbm>> -> memref<8x128xf32, #tpu.memory_space<hbm>>
    %dma_wait3A_27 = arith.constant 0 : i32
    %dma_wait3A_28 = tpu.memref_slice %arg3[%dma_wait3A_27, %mul3A_2] : memref<8x4096xf32, #tpu.memory_space<hbm>> -> memref<8x128xf32, #tpu.memory_space<hbm>>
    tpu.wait_dma2 semaphore(%arg13 : memref<!tpu.dma_semaphore, #tpu.memory_space<semaphore_mem>>) src(%dma_wait3A_28 : memref<8x128xf32, #tpu.memory_space<hbm>>) dst(%arg9 : memref<8x128xf32, #tpu.memory_space<vmem>>)
    %dma_wait3A_29 = arith.constant 0 : i32
    %dma_wait3A_30 = tpu.memref_slice %arg4[%dma_wait3A_29, %mul3A_2] : memref<8x4096xf32, #tpu.memory_space<hbm>> -> memref<8x128xf32, #tpu.memory_space<hbm>>
    %dma_wait3A_31 = arith.constant 0 : i32
    %dma_wait3A_32 = tpu.memref_slice %arg4[%dma_wait3A_31, %mul3A_2] : memref<8x4096xf32, #tpu.memory_space<hbm>> -> memref<8x128xf32, #tpu.memory_space<hbm>>
    tpu.wait_dma2 semaphore(%arg13 : memref<!tpu.dma_semaphore, #tpu.memory_space<semaphore_mem>>) src(%dma_wait3A_32 : memref<8x128xf32, #tpu.memory_space<hbm>>) dst(%arg10 : memref<8x128xf32, #tpu.memory_space<vmem>>)
    %dma_wait3A_33 = arith.constant 0 : i32
    %dma_wait3A_34 = tpu.memref_slice %arg5[%dma_wait3A_33, %mul3A_2] : memref<15x4096xf32, #tpu.memory_space<hbm>> -> memref<15x128xf32, #tpu.memory_space<hbm>>
    %dma_wait3A_35 = arith.constant 0 : i32
    %dma_wait3A_36 = tpu.memref_slice %arg5[%dma_wait3A_35, %mul3A_2] : memref<15x4096xf32, #tpu.memory_space<hbm>> -> memref<15x128xf32, #tpu.memory_space<hbm>>
    tpu.wait_dma2 semaphore(%arg13 : memref<!tpu.dma_semaphore, #tpu.memory_space<semaphore_mem>>) src(%dma_wait3A_36 : memref<15x128xf32, #tpu.memory_space<hbm>>) dst(%arg11 : memref<15x128xf32, #tpu.memory_space<vmem>>)
    %dma_wait3A_37 = arith.constant 0 : i32
    %dma_wait3A_38 = tpu.memref_slice %arg6[%dma_wait3A_37, %mul3A_2] : memref<15x4096xf32, #tpu.memory_space<hbm>> -> memref<15x128xf32, #tpu.memory_space<hbm>>
    %dma_wait3A_39 = arith.constant 0 : i32
    %dma_wait3A_40 = tpu.memref_slice %arg6[%dma_wait3A_39, %mul3A_2] : memref<15x4096xf32, #tpu.memory_space<hbm>> -> memref<15x128xf32, #tpu.memory_space<hbm>>
    tpu.wait_dma2 semaphore(%arg13 : memref<!tpu.dma_semaphore, #tpu.memory_space<semaphore_mem>>) src(%dma_wait3A_40 : memref<15x128xf32, #tpu.memory_space<hbm>>) dst(%arg12 : memref<15x128xf32, #tpu.memory_space<vmem>>)
    %parallel_loop3A = arith.constant 0 : i32
    %parallel_loop3A_41 = arith.constant 64 : i32
    %parallel_loop3A_42 = arith.constant 1 : i32
    scf.for %parallel_loop3A_43 = %parallel_loop3A to %parallel_loop3A_41 step %parallel_loop3A_42  : i32 {
      %parallel_loop3A_44 = arith.constant 8 : i32
      %parallel_loop3A_45 = arith.divsi %parallel_loop3A_43, %parallel_loop3A_44 : i32
      %parallel_loop3A_46 = arith.constant 8 : i32
      %parallel_loop3A_47 = arith.remsi %parallel_loop3A_43, %parallel_loop3A_46 : i32
      %parallel_loop3A_48 = arith.addi %parallel_loop3A_45, %parallel_loop3A_47 : i32
      %parallel_loop3A_49 = arith.subi %parallel_loop3A_45, %parallel_loop3A_47 : i32
      %parallel_loop3A_50 = arith.constant 7 : i32
      %parallel_loop3A_51 = arith.addi %parallel_loop3A_49, %parallel_loop3A_50 : i32
      %parallel_loop3A_52 = arith.index_cast %parallel_loop3A_47 : i32 to index
      %parallel_loop3A_53 = arith.constant 0 : index
      %parallel_loop3A_54 = tpu.vector_load %arg9[%parallel_loop3A_52, %parallel_loop3A_53] {strides = array<i32>} : memref<8x128xf32, #tpu.memory_space<vmem>>, vector<1x16xf32>,
      %parallel_loop3A_55 = vector.shape_cast %parallel_loop3A_54 : vector<1x16xf32> to vector<16xf32>
      %parallel_loop3A_56 = arith.index_cast %parallel_loop3A_45 : i32 to index
      %parallel_loop3A_57 = arith.constant 0 : index
      %parallel_loop3A_58 = tpu.vector_load %arg10[%parallel_loop3A_56, %parallel_loop3A_57] {strides = array<i32>} : memref<8x128xf32, #tpu.memory_space<vmem>>, vector<1x16xf32>,
      %parallel_loop3A_59 = vector.shape_cast %parallel_loop3A_58 : vector<1x16xf32> to vector<16xf32>
      %parallel_loop3A_60 = arith.addf %parallel_loop3A_55, %parallel_loop3A_59 : vector<16xf32>
      %parallel_loop3A_61 = arith.index_cast %parallel_loop3A_48 : i32 to index
      %parallel_loop3A_62 = arith.constant 0 : index
      %parallel_loop3A_63 = tpu.vector_load %arg11[%parallel_loop3A_61, %parallel_loop3A_62] {strides = array<i32>} : memref<15x128xf32, #tpu.memory_space<vmem>>, vector<1x16xf32>,
      %parallel_loop3A_64 = vector.shape_cast %parallel_loop3A_63 : vector<1x16xf32> to vector<16xf32>
      %parallel_loop3A_65 = arith.index_cast %parallel_loop3A_51 : i32 to index
      %parallel_loop3A_66 = arith.constant 0 : index
      %parallel_loop3A_67 = tpu.vector_load %arg12[%parallel_loop3A_65, %parallel_loop3A_66] {strides = array<i32>} : memref<15x128xf32, #tpu.memory_space<vmem>>, vector<1x16xf32>,
      %parallel_loop3A_68 = vector.shape_cast %parallel_loop3A_67 : vector<1x16xf32> to vector<16xf32>
      %parallel_loop3A_69 = arith.addf %parallel_loop3A_64, %parallel_loop3A_68 : vector<16xf32>
      %parallel_loop3A_70 = arith.addf %parallel_loop3A_60, %parallel_loop3A_69 : vector<16xf32>
      %parallel_loop3A_71 = arith.index_cast %parallel_loop3A_47 : i32 to index
      %parallel_loop3A_72 = arith.constant 16 : index
      %parallel_loop3A_73 = tpu.vector_load %arg9[%parallel_loop3A_71, %parallel_loop3A_72] {strides = array<i32>} : memref<8x128xf32, #tpu.memory_space<vmem>>, vector<1x16xf32>,
      %parallel_loop3A_74 = vector.shape_cast %parallel_loop3A_73 : vector<1x16xf32> to vector<16xf32>
      %parallel_loop3A_75 = arith.index_cast %parallel_loop3A_45 : i32 to index
      %parallel_loop3A_76 = arith.constant 16 : index
      %parallel_loop3A_77 = tpu.vector_load %arg10[%parallel_loop3A_75, %parallel_loop3A_76] {strides = array<i32>} : memref<8x128xf32, #tpu.memory_space<vmem>>, vector<1x16xf32>,
      %parallel_loop3A_78 = vector.shape_cast %parallel_loop3A_77 : vector<1x16xf32> to vector<16xf32>
      %parallel_loop3A_79 = arith.addf %parallel_loop3A_74, %parallel_loop3A_78 : vector<16xf32>
      %parallel_loop3A_80 = arith.index_cast %parallel_loop3A_48 : i32 to index
      %parallel_loop3A_81 = arith.constant 16 : index
      %parallel_loop3A_82 = tpu.vector_load %arg11[%parallel_loop3A_80, %parallel_loop3A_81] {strides = array<i32>} : memref<15x128xf32, #tpu.memory_space<vmem>>, vector<1x16xf32>,
      %parallel_loop3A_83 = vector.shape_cast %parallel_loop3A_82 : vector<1x16xf32> to vector<16xf32>
      %parallel_loop3A_84 = arith.index_cast %parallel_loop3A_51 : i32 to index
      %parallel_loop3A_85 = arith.constant 16 : index
      %parallel_loop3A_86 = tpu.vector_load %arg12[%parallel_loop3A_84, %parallel_loop3A_85] {strides = array<i32>} : memref<15x128xf32, #tpu.memory_space<vmem>>, vector<1x16xf32>,
      %parallel_loop3A_87 = vector.shape_cast %parallel_loop3A_86 : vector<1x16xf32> to vector<16xf32>
      %parallel_loop3A_88 = arith.addf %parallel_loop3A_83, %parallel_loop3A_87 : vector<16xf32>
      %parallel_loop3A_89 = arith.addf %parallel_loop3A_79, %parallel_loop3A_88 : vector<16xf32>
      %parallel_loop3A_90 = arith.index_cast %parallel_loop3A_47 : i32 to index
      %parallel_loop3A_91 = arith.constant 32 : index
      %parallel_loop3A_92 = tpu.vector_load %arg9[%parallel_loop3A_90, %parallel_loop3A_91] {strides = array<i32>} : memref<8x128xf32, #tpu.memory_space<vmem>>, vector<1x16xf32>,
      %parallel_loop3A_93 = vector.shape_cast %parallel_loop3A_92 : vector<1x16xf32> to vector<16xf32>
      %parallel_loop3A_94 = arith.index_cast %parallel_loop3A_45 : i32 to index
      %parallel_loop3A_95 = arith.constant 32 : index
      %parallel_loop3A_96 = tpu.vector_load %arg10[%parallel_loop3A_94, %parallel_loop3A_95] {strides = array<i32>} : memref<8x128xf32, #tpu.memory_space<vmem>>, vector<1x16xf32>,
      %parallel_loop3A_97 = vector.shape_cast %parallel_loop3A_96 : vector<1x16xf32> to vector<16xf32>
      %parallel_loop3A_98 = arith.addf %parallel_loop3A_93, %parallel_loop3A_97 : vector<16xf32>
      %parallel_loop3A_99 = arith.index_cast %parallel_loop3A_48 : i32 to index
      %parallel_loop3A_100 = arith.constant 32 : index
      %parallel_loop3A_101 = tpu.vector_load %arg11[%parallel_loop3A_99, %parallel_loop3A_100] {strides = array<i32>} : memref<15x128xf32, #tpu.memory_space<vmem>>, vector<1x16xf32>,
      %parallel_loop3A_102 = vector.shape_cast %parallel_loop3A_101 : vector<1x16xf32> to vector<16xf32>
      %parallel_loop3A_103 = arith.index_cast %parallel_loop3A_51 : i32 to index
      %parallel_loop3A_104 = arith.constant 32 : index
      %parallel_loop3A_105 = tpu.vector_load %arg12[%parallel_loop3A_103, %parallel_loop3A_104] {strides = array<i32>} : memref<15x128xf32, #tpu.memory_space<vmem>>, vector<1x16xf32>,
      %parallel_loop3A_106 = vector.shape_cast %parallel_loop3A_105 : vector<1x16xf32> to vector<16xf32>
      %parallel_loop3A_107 = arith.addf %parallel_loop3A_102, %parallel_loop3A_106 : vector<16xf32>
      %parallel_loop3A_108 = arith.addf %parallel_loop3A_98, %parallel_loop3A_107 : vector<16xf32>
      %parallel_loop3A_109 = arith.index_cast %parallel_loop3A_47 : i32 to index
      %parallel_loop3A_110 = arith.constant 48 : index
      %parallel_loop3A_111 = tpu.vector_load %arg9[%parallel_loop3A_109, %parallel_loop3A_110] {strides = array<i32>} : memref<8x128xf32, #tpu.memory_space<vmem>>, vector<1x16xf32>,
      %parallel_loop3A_112 = vector.shape_cast %parallel_loop3A_111 : vector<1x16xf32> to vector<16xf32>
      %parallel_loop3A_113 = arith.index_cast %parallel_loop3A_45 : i32 to index
      %parallel_loop3A_114 = arith.constant 48 : index
      %parallel_loop3A_115 = tpu.vector_load %arg10[%parallel_loop3A_113, %parallel_loop3A_114] {strides = array<i32>} : memref<8x128xf32, #tpu.memory_space<vmem>>, vector<1x16xf32>,
      %parallel_loop3A_116 = vector.shape_cast %parallel_loop3A_115 : vector<1x16xf32> to vector<16xf32>
      %parallel_loop3A_117 = arith.addf %parallel_loop3A_112, %parallel_loop3A_116 : vector<16xf32>
      %parallel_loop3A_118 = arith.index_cast %parallel_loop3A_48 : i32 to index
      %parallel_loop3A_119 = arith.constant 48 : index
      %parallel_loop3A_120 = tpu.vector_load %arg11[%parallel_loop3A_118, %parallel_loop3A_119] {strides = array<i32>} : memref<15x128xf32, #tpu.memory_space<vmem>>, vector<1x16xf32>,
      %parallel_loop3A_121 = vector.shape_cast %parallel_loop3A_120 : vector<1x16xf32> to vector<16xf32>
      %parallel_loop3A_122 = arith.index_cast %parallel_loop3A_51 : i32 to index
      %parallel_loop3A_123 = arith.constant 48 : index
      %parallel_loop3A_124 = tpu.vector_load %arg12[%parallel_loop3A_122, %parallel_loop3A_123] {strides = array<i32>} : memref<15x128xf32, #tpu.memory_space<vmem>>, vector<1x16xf32>,
      %parallel_loop3A_125 = vector.shape_cast %parallel_loop3A_124 : vector<1x16xf32> to vector<16xf32>
      %parallel_loop3A_126 = arith.addf %parallel_loop3A_121, %parallel_loop3A_125 : vector<16xf32>
      %parallel_loop3A_127 = arith.addf %parallel_loop3A_117, %parallel_loop3A_126 : vector<16xf32>
      %parallel_loop3A_128 = arith.index_cast %parallel_loop3A_47 : i32 to index
      %parallel_loop3A_129 = arith.constant 64 : index
      %parallel_loop3A_130 = tpu.vector_load %arg9[%parallel_loop3A_128, %parallel_loop3A_129] {strides = array<i32>} : memref<8x128xf32, #tpu.memory_space<vmem>>, vector<1x16xf32>,
      %parallel_loop3A_131 = vector.shape_cast %parallel_loop3A_130 : vector<1x16xf32> to vector<16xf32>
      %parallel_loop3A_132 = arith.index_cast %parallel_loop3A_45 : i32 to index
      %parallel_loop3A_133 = arith.constant 64 : index
      %parallel_loop3A_134 = tpu.vector_load %arg10[%parallel_loop3A_132, %parallel_loop3A_133] {strides = array<i32>} : memref<8x128xf32, #tpu.memory_space<vmem>>, vector<1x16xf32>,
      %parallel_loop3A_135 = vector.shape_cast %parallel_loop3A_134 : vector<1x16xf32> to vector<16xf32>
      %parallel_loop3A_136 = arith.addf %parallel_loop3A_131, %parallel_loop3A_135 : vector<16xf32>
      %parallel_loop3A_137 = arith.index_cast %parallel_loop3A_48 : i32 to index
      %parallel_loop3A_138 = arith.constant 64 : index
      %parallel_loop3A_139 = tpu.vector_load %arg11[%parallel_loop3A_137, %parallel_loop3A_138] {strides = array<i32>} : memref<15x128xf32, #tpu.memory_space<vmem>>, vector<1x16xf32>,
      %parallel_loop3A_140 = vector.shape_cast %parallel_loop3A_139 : vector<1x16xf32> to vector<16xf32>
      %parallel_loop3A_141 = arith.index_cast %parallel_loop3A_51 : i32 to index
      %parallel_loop3A_142 = arith.constant 64 : index
      %parallel_loop3A_143 = tpu.vector_load %arg12[%parallel_loop3A_141, %parallel_loop3A_142] {strides = array<i32>} : memref<15x128xf32, #tpu.memory_space<vmem>>, vector<1x16xf32>,
      %parallel_loop3A_144 = vector.shape_cast %parallel_loop3A_143 : vector<1x16xf32> to vector<16xf32>
      %parallel_loop3A_145 = arith.addf %parallel_loop3A_140, %parallel_loop3A_144 : vector<16xf32>
      %parallel_loop3A_146 = arith.addf %parallel_loop3A_136, %parallel_loop3A_145 : vector<16xf32>
      %parallel_loop3A_147 = arith.index_cast %parallel_loop3A_47 : i32 to index
      %parallel_loop3A_148 = arith.constant 80 : index
      %parallel_loop3A_149 = tpu.vector_load %arg9[%parallel_loop3A_147, %parallel_loop3A_148] {strides = array<i32>} : memref<8x128xf32, #tpu.memory_space<vmem>>, vector<1x16xf32>,
      %parallel_loop3A_150 = vector.shape_cast %parallel_loop3A_149 : vector<1x16xf32> to vector<16xf32>
      %parallel_loop3A_151 = arith.index_cast %parallel_loop3A_45 : i32 to index
      %parallel_loop3A_152 = arith.constant 80 : index
      %parallel_loop3A_153 = tpu.vector_load %arg10[%parallel_loop3A_151, %parallel_loop3A_152] {strides = array<i32>} : memref<8x128xf32, #tpu.memory_space<vmem>>, vector<1x16xf32>,
      %parallel_loop3A_154 = vector.shape_cast %parallel_loop3A_153 : vector<1x16xf32> to vector<16xf32>
      %parallel_loop3A_155 = arith.addf %parallel_loop3A_150, %parallel_loop3A_154 : vector<16xf32>
      %parallel_loop3A_156 = arith.index_cast %parallel_loop3A_48 : i32 to index
      %parallel_loop3A_157 = arith.constant 80 : index
      %parallel_loop3A_158 = tpu.vector_load %arg11[%parallel_loop3A_156, %parallel_loop3A_157] {strides = array<i32>} : memref<15x128xf32, #tpu.memory_space<vmem>>, vector<1x16xf32>,
      %parallel_loop3A_159 = vector.shape_cast %parallel_loop3A_158 : vector<1x16xf32> to vector<16xf32>
      %parallel_loop3A_160 = arith.index_cast %parallel_loop3A_51 : i32 to index
      %parallel_loop3A_161 = arith.constant 80 : index
      %parallel_loop3A_162 = tpu.vector_load %arg12[%parallel_loop3A_160, %parallel_loop3A_161] {strides = array<i32>} : memref<15x128xf32, #tpu.memory_space<vmem>>, vector<1x16xf32>,
      %parallel_loop3A_163 = vector.shape_cast %parallel_loop3A_162 : vector<1x16xf32> to vector<16xf32>
      %parallel_loop3A_164 = arith.addf %parallel_loop3A_159, %parallel_loop3A_163 : vector<16xf32>
      %parallel_loop3A_165 = arith.addf %parallel_loop3A_155, %parallel_loop3A_164 : vector<16xf32>
      %parallel_loop3A_166 = arith.index_cast %parallel_loop3A_47 : i32 to index
      %parallel_loop3A_167 = arith.constant 96 : index
      %parallel_loop3A_168 = tpu.vector_load %arg9[%parallel_loop3A_166, %parallel_loop3A_167] {strides = array<i32>} : memref<8x128xf32, #tpu.memory_space<vmem>>, vector<1x16xf32>,
      %parallel_loop3A_169 = vector.shape_cast %parallel_loop3A_168 : vector<1x16xf32> to vector<16xf32>
      %parallel_loop3A_170 = arith.index_cast %parallel_loop3A_45 : i32 to index
      %parallel_loop3A_171 = arith.constant 96 : index
      %parallel_loop3A_172 = tpu.vector_load %arg10[%parallel_loop3A_170, %parallel_loop3A_171] {strides = array<i32>} : memref<8x128xf32, #tpu.memory_space<vmem>>, vector<1x16xf32>,
      %parallel_loop3A_173 = vector.shape_cast %parallel_loop3A_172 : vector<1x16xf32> to vector<16xf32>
      %parallel_loop3A_174 = arith.addf %parallel_loop3A_169, %parallel_loop3A_173 : vector<16xf32>
      %parallel_loop3A_175 = arith.index_cast %parallel_loop3A_48 : i32 to index
      %parallel_loop3A_176 = arith.constant 96 : index
      %parallel_loop3A_177 = tpu.vector_load %arg11[%parallel_loop3A_175, %parallel_loop3A_176] {strides = array<i32>} : memref<15x128xf32, #tpu.memory_space<vmem>>, vector<1x16xf32>,
      %parallel_loop3A_178 = vector.shape_cast %parallel_loop3A_177 : vector<1x16xf32> to vector<16xf32>
      %parallel_loop3A_179 = arith.index_cast %parallel_loop3A_51 : i32 to index
      %parallel_loop3A_180 = arith.constant 96 : index
      %parallel_loop3A_181 = tpu.vector_load %arg12[%parallel_loop3A_179, %parallel_loop3A_180] {strides = array<i32>} : memref<15x128xf32, #tpu.memory_space<vmem>>, vector<1x16xf32>,
      %parallel_loop3A_182 = vector.shape_cast %parallel_loop3A_181 : vector<1x16xf32> to vector<16xf32>
      %parallel_loop3A_183 = arith.addf %parallel_loop3A_178, %parallel_loop3A_182 : vector<16xf32>
      %parallel_loop3A_184 = arith.addf %parallel_loop3A_174, %parallel_loop3A_183 : vector<16xf32>
      %parallel_loop3A_185 = arith.index_cast %parallel_loop3A_47 : i32 to index
      %parallel_loop3A_186 = arith.constant 112 : index
      %parallel_loop3A_187 = tpu.vector_load %arg9[%parallel_loop3A_185, %parallel_loop3A_186] {strides = array<i32>} : memref<8x128xf32, #tpu.memory_space<vmem>>, vector<1x16xf32>,
      %parallel_loop3A_188 = vector.shape_cast %parallel_loop3A_187 : vector<1x16xf32> to vector<16xf32>
      %parallel_loop3A_189 = arith.index_cast %parallel_loop3A_45 : i32 to index
      %parallel_loop3A_190 = arith.constant 112 : index
      %parallel_loop3A_191 = tpu.vector_load %arg10[%parallel_loop3A_189, %parallel_loop3A_190] {strides = array<i32>} : memref<8x128xf32, #tpu.memory_space<vmem>>, vector<1x16xf32>,
      %parallel_loop3A_192 = vector.shape_cast %parallel_loop3A_191 : vector<1x16xf32> to vector<16xf32>
      %parallel_loop3A_193 = arith.addf %parallel_loop3A_188, %parallel_loop3A_192 : vector<16xf32>
      %parallel_loop3A_194 = arith.index_cast %parallel_loop3A_48 : i32 to index
      %parallel_loop3A_195 = arith.constant 112 : index
      %parallel_loop3A_196 = tpu.vector_load %arg11[%parallel_loop3A_194, %parallel_loop3A_195] {strides = array<i32>} : memref<15x128xf32, #tpu.memory_space<vmem>>, vector<1x16xf32>,
      %parallel_loop3A_197 = vector.shape_cast %parallel_loop3A_196 : vector<1x16xf32> to vector<16xf32>
      %parallel_loop3A_198 = arith.index_cast %parallel_loop3A_51 : i32 to index
      %parallel_loop3A_199 = arith.constant 112 : index
      %parallel_loop3A_200 = tpu.vector_load %arg12[%parallel_loop3A_198, %parallel_loop3A_199] {strides = array<i32>} : memref<15x128xf32, #tpu.memory_space<vmem>>, vector<1x16xf32>,
      %parallel_loop3A_201 = vector.shape_cast %parallel_loop3A_200 : vector<1x16xf32> to vector<16xf32>
      %parallel_loop3A_202 = arith.addf %parallel_loop3A_197, %parallel_loop3A_201 : vector<16xf32>
      %parallel_loop3A_203 = arith.addf %parallel_loop3A_193, %parallel_loop3A_202 : vector<16xf32>
      %parallel_loop3A_204 = arith.index_cast %parallel_loop3A_43 : i32 to index
      %parallel_loop3A_205 = arith.constant 0 : index
      %parallel_loop3A_206 = tpu.vector_load %arg8[%parallel_loop3A_204, %parallel_loop3A_205] {strides = array<i32>} : memref<64x128xf32, #tpu.memory_space<vmem>>, vector<1x16xf32>,
      %parallel_loop3A_207 = vector.shape_cast %parallel_loop3A_206 : vector<1x16xf32> to vector<16xf32>
      %parallel_loop3A_208 = vector.shape_cast %parallel_loop3A_70 : vector<16xf32> to vector<1x16xf32>
      tpu.vector_store %arg8[%parallel_loop3A_204, %parallel_loop3A_205], %parallel_loop3A_208 {add = true, strides = array<i32>} : memref<64x128xf32, #tpu.memory_space<vmem>>, vector<1x16xf32>,
      %parallel_loop3A_209 = arith.index_cast %parallel_loop3A_43 : i32 to index
      %parallel_loop3A_210 = arith.constant 16 : index
      %parallel_loop3A_211 = tpu.vector_load %arg8[%parallel_loop3A_209, %parallel_loop3A_210] {strides = array<i32>} : memref<64x128xf32, #tpu.memory_space<vmem>>, vector<1x16xf32>,
      %parallel_loop3A_212 = vector.shape_cast %parallel_loop3A_211 : vector<1x16xf32> to vector<16xf32>
      %parallel_loop3A_213 = vector.shape_cast %parallel_loop3A_89 : vector<16xf32> to vector<1x16xf32>
      tpu.vector_store %arg8[%parallel_loop3A_209, %parallel_loop3A_210], %parallel_loop3A_213 {add = true, strides = array<i32>} : memref<64x128xf32, #tpu.memory_space<vmem>>, vector<1x16xf32>,
      %parallel_loop3A_214 = arith.index_cast %parallel_loop3A_43 : i32 to index
      %parallel_loop3A_215 = arith.constant 32 : index
      %parallel_loop3A_216 = tpu.vector_load %arg8[%parallel_loop3A_214, %parallel_loop3A_215] {strides = array<i32>} : memref<64x128xf32, #tpu.memory_space<vmem>>, vector<1x16xf32>,
      %parallel_loop3A_217 = vector.shape_cast %parallel_loop3A_216 : vector<1x16xf32> to vector<16xf32>
      %parallel_loop3A_218 = vector.shape_cast %parallel_loop3A_108 : vector<16xf32> to vector<1x16xf32>
      tpu.vector_store %arg8[%parallel_loop3A_214, %parallel_loop3A_215], %parallel_loop3A_218 {add = true, strides = array<i32>} : memref<64x128xf32, #tpu.memory_space<vmem>>, vector<1x16xf32>,
      %parallel_loop3A_219 = arith.index_cast %parallel_loop3A_43 : i32 to index
      %parallel_loop3A_220 = arith.constant 48 : index
      %parallel_loop3A_221 = tpu.vector_load %arg8[%parallel_loop3A_219, %parallel_loop3A_220] {strides = array<i32>} : memref<64x128xf32, #tpu.memory_space<vmem>>, vector<1x16xf32>,
      %parallel_loop3A_222 = vector.shape_cast %parallel_loop3A_221 : vector<1x16xf32> to vector<16xf32>
      %parallel_loop3A_223 = vector.shape_cast %parallel_loop3A_127 : vector<16xf32> to vector<1x16xf32>
      tpu.vector_store %arg8[%parallel_loop3A_219, %parallel_loop3A_220], %parallel_loop3A_223 {add = true, strides = array<i32>} : memref<64x128xf32, #tpu.memory_space<vmem>>, vector<1x16xf32>,
      %parallel_loop3A_224 = arith.index_cast %parallel_loop3A_43 : i32 to index
      %parallel_loop3A_225 = arith.constant 64 : index
      %parallel_loop3A_226 = tpu.vector_load %arg8[%parallel_loop3A_224, %parallel_loop3A_225] {strides = array<i32>} : memref<64x128xf32, #tpu.memory_space<vmem>>, vector<1x16xf32>,
      %parallel_loop3A_227 = vector.shape_cast %parallel_loop3A_226 : vector<1x16xf32> to vector<16xf32>
      %parallel_loop3A_228 = vector.shape_cast %parallel_loop3A_146 : vector<16xf32> to vector<1x16xf32>
      tpu.vector_store %arg8[%parallel_loop3A_224, %parallel_loop3A_225], %parallel_loop3A_228 {add = true, strides = array<i32>} : memref<64x128xf32, #tpu.memory_space<vmem>>, vector<1x16xf32>,
      %parallel_loop3A_229 = arith.index_cast %parallel_loop3A_43 : i32 to index
      %parallel_loop3A_230 = arith.constant 80 : index
      %parallel_loop3A_231 = tpu.vector_load %arg8[%parallel_loop3A_229, %parallel_loop3A_230] {strides = array<i32>} : memref<64x128xf32, #tpu.memory_space<vmem>>, vector<1x16xf32>,
      %parallel_loop3A_232 = vector.shape_cast %parallel_loop3A_231 : vector<1x16xf32> to vector<16xf32>
      %parallel_loop3A_233 = vector.shape_cast %parallel_loop3A_165 : vector<16xf32> to vector<1x16xf32>
      tpu.vector_store %arg8[%parallel_loop3A_229, %parallel_loop3A_230], %parallel_loop3A_233 {add = true, strides = array<i32>} : memref<64x128xf32, #tpu.memory_space<vmem>>, vector<1x16xf32>,
      %parallel_loop3A_234 = arith.index_cast %parallel_loop3A_43 : i32 to index
      %parallel_loop3A_235 = arith.constant 96 : index
      %parallel_loop3A_236 = tpu.vector_load %arg8[%parallel_loop3A_234, %parallel_loop3A_235] {strides = array<i32>} : memref<64x128xf32, #tpu.memory_space<vmem>>, vector<1x16xf32>,
      %parallel_loop3A_237 = vector.shape_cast %parallel_loop3A_236 : vector<1x16xf32> to vector<16xf32>
      %parallel_loop3A_238 = vector.shape_cast %parallel_loop3A_184 : vector<16xf32> to vector<1x16xf32>
      tpu.vector_store %arg8[%parallel_loop3A_234, %parallel_loop3A_235], %parallel_loop3A_238 {add = true, strides = array<i32>} : memref<64x128xf32, #tpu.memory_space<vmem>>, vector<1x16xf32>,
      %parallel_loop3A_239 = arith.index_cast %parallel_loop3A_43 : i32 to index
      %parallel_loop3A_240 = arith.constant 112 : index
      %parallel_loop3A_241 = tpu.vector_load %arg8[%parallel_loop3A_239, %parallel_loop3A_240] {strides = array<i32>} : memref<64x128xf32, #tpu.memory_space<vmem>>, vector<1x16xf32>,
      %parallel_loop3A_242 = vector.shape_cast %parallel_loop3A_241 : vector<1x16xf32> to vector<16xf32>
      %parallel_loop3A_243 = vector.shape_cast %parallel_loop3A_203 : vector<16xf32> to vector<1x16xf32>
      tpu.vector_store %arg8[%parallel_loop3A_239, %parallel_loop3A_240], %parallel_loop3A_243 {add = true, strides = array<i32>} : memref<64x128xf32, #tpu.memory_space<vmem>>, vector<1x16xf32>,
    } {sc.loop_unroll_factor = 2 : i64, sc.parallel_access}
    "tpu.region"() ({
      %run_scoped3A = tpu.sem_alloc : memref<!tpu.dma_semaphore, #tpu.memory_space<semaphore_mem>>
      %dma_start3A_43 = arith.constant 0 : i32
      %dma_start3A_44 = tpu.memref_slice %arg7[%dma_start3A_43, %mul3A_2] : memref<64x4096xf32, #tpu.memory_space<hbm>> -> memref<64x128xf32, #tpu.memory_space<hbm>>
      %dma_start3A_45 = arith.constant 0 : i32
      %dma_start3A_46 = tpu.memref_slice %arg7[%dma_start3A_45, %mul3A_2] : memref<64x4096xf32, #tpu.memory_space<hbm>> -> memref<64x128xf32, #tpu.memory_space<hbm>>
      tpu.enqueue_dma source(%arg8 : memref<64x128xf32, #tpu.memory_space<vmem>>) target(%dma_start3A_46 : memref<64x128xf32, #tpu.memory_space<hbm>>) target_semaphore(%run_scoped3A : memref<!tpu.dma_semaphore, #tpu.memory_space<semaphore_mem>>)
      %dma_wait3A_47 = arith.constant 0 : i32
      %dma_wait3A_48 = tpu.memref_slice %arg7[%dma_wait3A_47, %mul3A_2] : memref<64x4096xf32, #tpu.memory_space<hbm>> -> memref<64x128xf32, #tpu.memory_space<hbm>>
      %dma_wait3A_49 = arith.constant 0 : i32
      %dma_wait3A_50 = tpu.memref_slice %arg7[%dma_wait3A_49, %mul3A_2] : memref<64x4096xf32, #tpu.memory_space<hbm>> -> memref<64x128xf32, #tpu.memory_space<hbm>>
      tpu.wait_dma2 semaphore(%run_scoped3A : memref<!tpu.dma_semaphore, #tpu.memory_space<semaphore_mem>>) src(%arg8 : memref<64x128xf32, #tpu.memory_space<vmem>>) dst(%dma_wait3A_50 : memref<64x128xf32, #tpu.memory_space<hbm>>)
      tpu.yield
    }) : () -> ()
    return
  }
}

</mosaic_0001>

<sc_bundles>
// kernel: _pos_encoding.3.cloned.1.call-start
scs
__scs_entry_jumppad:
0x0: {  	(pc) =	sbr.rel $0x88, $3  }
0x1: {  	(tag) =	ssettag $0x0;
	lr =	simm.s32 $0x1  }
0x2: {  	[smem:$0x3F9C] =	sst lr;
	_ =	strace $0xD0000000  }
0x3: {  	_ = 	snop  }
0x4: {  	_ = 	snop  }
0x5: {  	_ = 	snop  }
0x6: {  	_ = 	snop  }
0x7: {  	_ = 	snop  }
__scs_overlays_trampoline_lowered:
0x8: {  	[smem:$0x3FAB] =	sst s0  }
0x9: {  	[smem:$0x3FAC] =	sst s1  }
0xa: {  	[smem:$0x3FAD] =	sst s2  }
0xb: {  	[smem:$0x3FAE] =	sst s3  }
0xc: {  	[smem:$0x3FAF] =	sst s4  }
0xd: {  	[smem:$0x3FB0] =	sst s5  }
0xe: {  	[smem:$0x3FB1] =	sst s6  }
0xf: {  	[smem:$0x3FB2] =	sst s7  }
0x10: {  	[smem:$0x3FB3] =	sst s8  }
0x11: {  	[smem:$0x3FB4] =	sst s9;
	s0 =	simm.s32 @!p0 $0x0  }
0x12: {  	s1 =	sld [smem:$0x3F9A];
	s0 =	simm.s32 @p0 $0x1  }
0x13: {  	[smem:$0x3FB5] =	sst s0;
	s0 =	simm.s32 @!p1 $0x0  }
0x14: {  	s2 =	sld [smem:$0x3F99];
	s0 =	simm.s32 @p1 $0x1  }
0x15: {  	[smem:$0x3FB6] =	sst s0;
	s0 =	simm.s32 @!p2 $0x0  }
0x16: {  	s3 =	sld [smem:$0x3FDB];
	s0 =	simm.s32 @p2 $0x1  }
0x17: {  	s4 =	simm.s32 $0x1BF5;
	[smem:$0x3FB8] =	sst s0  }
0x18: {  	s0 =	sld [smem:$0x3F9B];
	_ =	swait.ge [sflag:s4], $0x0  }
0x19: {  	s7 =	sld [smem:$0x3F9C]  }
0x1a: {  	s8 =	sadd.s32 $0xFFFFE003, lr  }
0x1b: {  	s9 =	sadd.s32 $0xFFFFFEF7, lr;
	s5 =	simm.s32 $0xFFFFFFFF;
	p2 =	slt.u32 s8, $0xFFFFF086  }
0x1c: {  	p1 =	slt.u32 s9, $0xF7A;
	s5 =	simm.s32 @!p2 $0x0  }
0x1d: {  	s5 =	simm.s32 @p1 $0x1;
	p0 =	seq.s32 s7, s2  }
0x1e: {  	s7 =	smul.u32 @!p0 $0xF7A, s2;
	p2 =	seq.s32 @!p0 s5, $0x0  }
0x1f: {  	s9 =	smul.u32 $0xF7A, s1;
	s8 =	simm.s32 @!p0 $0x1BF5;
	p2 =	por !p2, p0  }
0x20: {  	[sflag:s8] =	ssyncset.s32 @!p0 $0xFFFFF086;
	s6 =	sadd.s32 @!p0 s3, s7;
	s7 =	simm.s32 @!p0 $0x108  }
0x21: {  	s3 =	sadd.s32 s3, s9;
	s6 =	sadd.s32 @!p0 $0x88, s6;
	s7 =	simm.s32 @p2 $0x1082  }
0x22: {  	[simem:s7], [sflag:s8] =	dma.local @!p0 [hbm:s6], $0xF7A  }
0x23: {  	s9 =	sor.u32 $0xD0000000, s2;
	s6 =	simm.s32 $0x108;
	_ =	swait.ge @!p0 [sflag:s8], $0x0  }
0x24: {  	s3 =	sadd.s32 $0x88, s3;
	s6 =	simm.s32 @!p1 $0x1082;
	[sflag:s4] =	ssyncset.s32 $0xFFFFF086  }
0x25: {  	[simem:s6], [sflag:s4] =	dma.local [hbm:s3], $0xF7A  }
0x26: {  	[smem:$0x3F9C] =	sst s1;
	(tag) =	ssettag s2;
	_ =	strace s9  }
0x27: {  	s1 =	sld [smem:$0x3FAC]  }
0x28: {  	s2 =	sld [smem:$0x3FAD]  }
0x29: {  	s4 =	sld [smem:$0x3FAF]  }
0x2a: {  	p0 =	seq.s32 s5, $0x0;
	s5 =	sld [smem:$0x3FB0]  }
0x2b: {  	s6 =	sld [smem:$0x3FB1]  }
0x2c: {  	s7 =	sld [smem:$0x3FB2]  }
0x2d: {  	s3 =	simm.s32 $0x108;
	s8 =	sld [smem:$0x3FB3]  }
0x2e: {  	s3 =	simm.s32 @!p0 $0x1082;
	s9 =	sld [smem:$0x3FB4]  }
0x2f: {  	lr =	sadd.s32 s0, s3;
	s0 =	sld [smem:$0x3FAB]  }
0x30: {  	s3 =	sld [smem:$0x3FAE]  }
0x31: {  	[smem:$0x3FB7] =	sst s10  }
0x32: {  	s10 =	sld [smem:$0x3FB5];
	_ =	sdelay $0x3  }
0x33: {  	p0 =	seq.s32 s10, $0x1;
	s10 =	sld [smem:$0x3FB7];
	_ =	sdelay $0x3  }
0x34: {  	[smem:$0x3FB7] =	sst s10  }
0x35: {  	s10 =	sld [smem:$0x3FB6];
	_ =	sdelay $0x3  }
0x36: {  	p1 =	seq.s32 s10, $0x1;
	s10 =	sld [smem:$0x3FB7];
	_ =	sdelay $0x3  }
0x37: {  	[smem:$0x3FB7] =	sst s10  }
0x38: {  	s10 =	sld [smem:$0x3FB8]  }
0x39: {  	_ = 	snop;
	(pc) =	sbr.ind lr, $3  }
0x3a: {  	_ = 	snop  }
0x3b: {  	_ = 	snop  }
0x3c: {  	p2 =	seq.s32 s10, $0x1;
	s10 =	sld [smem:$0x3FB7]  }
0x3d: {  	_ =	shalt  }
0x3e: {  	_ =	shalt  }
0x3f: {  	_ =	shalt  }
0x40: {  	_ =	shalt  }
0x41: {  	_ =	shalt  }
0x42: {  	_ =	shalt  }
0x43: {  	_ =	shalt  }
0x44: {  	_ =	shalt  }
0x45: {  	_ =	shalt  }
0x46: {  	_ =	shalt  }
0x47: {  	_ =	shalt  }
0x48: {  	_ =	shalt  }
0x49: {  	_ =	shalt  }
0x4a: {  	_ =	shalt  }
0x4b: {  	_ =	shalt  }
0x4c: {  	_ =	shalt  }
0x4d: {  	_ =	shalt  }
0x4e: {  	_ =	shalt  }
0x4f: {  	_ =	shalt  }
0x50: {  	_ =	shalt  }
0x51: {  	_ =	shalt  }
0x52: {  	_ =	shalt  }
0x53: {  	_ =	shalt  }
0x54: {  	_ =	shalt  }
0x55: {  	_ =	shalt  }
0x56: {  	_ =	shalt  }
0x57: {  	_ =	shalt  }
0x58: {  	_ =	shalt  }
0x59: {  	_ =	shalt  }
0x5a: {  	_ =	shalt  }
0x5b: {  	_ =	shalt  }
0x5c: {  	_ =	shalt  }
0x5d: {  	_ =	shalt  }
0x5e: {  	_ =	shalt  }
0x5f: {  	_ =	shalt  }
0x60: {  	_ =	shalt  }
0x61: {  	_ =	shalt  }
0x62: {  	_ =	shalt  }
0x63: {  	_ =	shalt  }
0x64: {  	_ =	shalt  }
0x65: {  	_ =	shalt  }
0x66: {  	_ =	shalt  }
0x67: {  	_ =	shalt  }
0x68: {  	_ =	shalt  }
0x69: {  	_ =	shalt  }
0x6a: {  	_ =	shalt  }
0x6b: {  	_ =	shalt  }
0x6c: {  	_ =	shalt  }
0x6d: {  	_ =	shalt  }
0x6e: {  	_ =	shalt  }
0x6f: {  	_ =	shalt  }
0x70: {  	_ =	shalt  }
0x71: {  	_ =	shalt  }
0x72: {  	_ =	shalt  }
0x73: {  	_ =	shalt  }
0x74: {  	_ =	shalt  }
0x75: {  	_ =	shalt  }
0x76: {  	_ =	shalt  }
0x77: {  	_ =	shalt  }
0x78: {  	_ =	shalt  }
0x79: {  	_ =	shalt  }
0x7a: {  	_ =	shalt  }
0x7b: {  	_ =	shalt  }
0x7c: {  	_ =	shalt  }
0x7d: {  	_ =	shalt  }
0x7e: {  	_ =	shalt  }
0x7f: {  	_ =	shalt  }
0x80: {  	_ =	shalt  }
0x81: {  	_ =	shalt  }
0x82: {  	_ =	shalt  }
0x83: {  	_ =	shalt  }
0x84: {  	_ =	shalt  }
0x85: {  	_ =	shalt  }
0x86: {  	_ =	shalt  }
0x87: {  	_ =	shalt  }
.Lfunc_end0:
.L_simem_size_0:
called_computation_lowered:
.L_overlay_start_0:
0x88: {  	s2 =	sld [smem:$0x3FD9]  }
0x89: {  	s3 =	sld [smem:$0x3FFE];
	_ =	sdelay $0x1  }
0x8a: {  	s1 =	srdreg.scid  }
0x8b: {  	s0 =	sand.u32 $0x1, s1  }
0x8c: {  	s18 =	sshll.u32 s0, $0xA;
	s2 =	sadd.s32 s3, s2  }
0x8d: {  	s2 =	sadd.s32 s2, s18  }
0x8e: {  	[smem:$0x3FC3] =	sst s2  }
0x8f: {  	_ = 	snop  }
0x90: {  	s2 =	sld [smem:$0x3FC9]  }
0x91: {  	s19 =	sld [smem:$0x3FC8]  }
0x92: {  	s4 =	sld [smem:$0x3FC7]  }
0x93: {  	s5 =	sld [smem:$0x3FC6]  }
0x94: {  	s6 =	sld [smem:$0x3FC5]  }
0x95: {  	s7 =	sld [smem:$0x3FD0];
	(tm) =	ssettm $0x1  }
0x96: {  	s8 =	sld [smem:$0x3FFB];
	_ =	sdelay $0x3  }
0x97: {  	_ =	strace s8  }
0x98: {  	s8 =	sld [smem:$0x3FFC];
	_ =	sdelay $0x3  }
0x99: {  	_ =	strace s8  }
0x9a: {  	s8 =	sld [smem:$0x3FFD];
	_ =	sdelay $0x3  }
0x9b: {  	_ =	strace s8  }
0x9c: {  	_ =	strace $0x8FFFFFFF  }
0x9d: {  	s20 =	sld [smem:$0x3FDB];
	_ =	sdelay $0x1  }
0x9e: {  	s9 =	simm.s32 $_scs_section_size  }
0x9f: {  	s10 =	simm.s32 $_size__tile_overlayer_lowered;
	s11 =	simm.s32 $_tile_overlayer_lowered  }
0xa0: {  	s23 =	simm.s32 $0x1BFF;
	s22 =	sshll.u32 s11, $0x1;
	s8 =	sadd.s32 s9, s20  }
0xa1: {  	s12 =	simm.s32 $0x0;
	s21 =	sshll.u32 s10, $0x1;
	s10 =	sadd.s32 s22, s8  }
0xa2: {  	[timem:s12], [sflag:s23] =	dma.local [hbm:s10], s21  }
0xa3: {  	_ =	swait.ge [sflag:s23], s21  }
0xa4: {  	s9 =	ssub.s32 $0x0, s21;
	[sflag:s23] =	ssyncset.done $0x0  }
0xa5: {  	[sflag:s23] =	ssyncadd.s32 s9;
	_ =	sdelay $0x1  }
0xa6: {  	s24 =	simm.s32 $0x1B8B  }
0xa7: {  	_ =	swait.ge [sflag:s24], $0x1  }
0xa8: {  	[sflag:s24] =	ssyncset.done $0x0  }
0xa9: {  	s25 =	simm.s32 $0x1B8E;
	[sflag:s24] =	ssyncadd.s32 $0xFFFFFFFF  }
0xaa: {  	s26 =	simm.s32 $execute0_lowered;
	[smem:$0x3FD2] =	sst s25  }
0xab: {  	s9 =	sshll.u32 s26, $0x1;
	_ =	strace $0x80000046;
	[dreg:$0x1] =	wrdreg $0xFFFFFFFF  }
0xac: {  	s28 =	simm.s32 $_size_execute0_lowered;
	s8 =	sadd.s32 s8, s9;
	[dreg:$0x0] =	wrdreg $0x0  }
0xad: {  	s9 =	sshll.u32 s28, $0x1;
	[dreg:$0x2] =	wrdreg s8  }
0xae: {  	[dreg:$0x3] =	wrdreg s9  }
0xaf: {  	[dreg:$0x4] =	wrdreg $0xC0  }
0xb0: {  	_ =	task [dreg:s12], $0x5FFFF  }
0xb1: {  	[dreg:$0x1] =	wrdreg $0xFFFFFFFF  }
0xb2: {  	[dreg:$0x0] =	wrdreg $0x60  }
0xb3: {  	[dreg:$0x2] =	wrdreg s2  }
0xb4: {  	[dreg:$0x3] =	wrdreg s19  }
0xb5: {  	[dreg:$0x4] =	wrdreg s4  }
0xb6: {  	[dreg:$0x5] =	wrdreg s5  }
0xb7: {  	[dreg:$0x6] =	wrdreg s6  }
0xb8: {  	[dreg:$0x7] =	wrdreg s7  }
0xb9: {  	[dreg:$0x8] =	wrdreg $0x9  }
0xba: {  	_ =	task.clear_ibuf [dreg:s12], $0x9FFFF;
	_ =	strace $0x90000046  }
0xbb: {  	s29 =	simm.s32 $0x9;
	_ =	strace $0x80000048  }
0xbc: {  	_ =	swait.ge [sflag:s29], $0x1  }
0xbd: {  	[sflag:s29] =	ssyncadd.s32 $0xFFFFFFFF  }
0xbe: {  	_ =	strace $0x90000048  }
0xbf: {  	_ =	sfence  }
0xc0: {  	s30 =	sld [smem:$0x0];
	_ =	sdelay $0x2  }
0xc1: {  	s31 =	sshll.u32 s1, $0xD;
	s1 =	sshrl.u32 s1, $0x2  }
0xc2: {  	s3 =	sand.u32 $0x4000, s31;
	s1 =	sadd.s32 s1, s30  }
0xc3: {  	s0 =	sor.u32 s3, s0;
	s1 =	sshll.u32 s1, $0x11  }
0xc4: {  	s0 =	sor.u32 s1, s0  }
0xc5: {  	s0 =	sadd.s32 $0x8F2B, s0  }
0xc6: {  	[sflag:s0] =	ssyncadd.remote.s32 $0x1  }
0xc7: {  	_ =	sfence.sel $0xFFFF  }
0xc8: {  	[dreg:$0x0] =	wrdreg $0xFFFFFFFF;
	(pc) =	sbr.abs _section_cstart, $3  }
0xc9: {  	[dreg:$0x1] =	wrdreg $0xFFFFFFFF  }
0xca: {  	_ =	task.clear_ibuf [dreg:s12], $0x2FFFF;
	_ =	strace $0x9FFFFFFF  }
0xcb: {  	(tm) =	ssettm $0x7FFFFFFF  }
tec
execute0_lowered:
.L_overlay_start_1:
0x0: {  	(tag) =	ssettag $0x1  }
0x1: {  	s3 =	rddreg [dreg:$0x0]  }
0x2: {  	s4 =	rddreg [dreg:$0x1]  }
0x3: {  	s5 =	rddreg [dreg:$0x2]  }
0x4: {  	s6 =	rddreg [dreg:$0x3]  }
0x5: {  	s7 =	rddreg [dreg:$0x4]  }
0x6: {  	s10 =	rddreg [dreg:$0x5];
	s2 =	simm.s32 $0x0;
	s8 =	srdreg.scid  }
0x7: {  	s0 =	stileid.u32;
	s13 =	simm.s32 $0x8000;
	s14 =	simm.s32 $0x2000  }
0x8: {  	s15 =	simm.s32 $0x2400;
	s16 =	simm.s32 $0x2800;
	s17 =	simm.s32 $0x2C00  }
0x9: {  	s18 =	simm.s32 $0x3000;
	s19 =	simm.s32 $0x3400;
	s20 =	simm.s32 $0x1  }
0xa: {  	s21 =	simm.s32 $0x2;
	s22 =	simm.s32 $0x0;
	s8 =	sand.u32 $0x1, s8  }
0xb: {  	s11 =	sshll.u32 s0, $0x8;
	s9 =	ssub.s32 $0x2, s8;
	s8 =	sshll.u32 s8, $0x7  }
0xc: {  	[smem:$0x7FF] =	sst s2;
	s12 =	sshrl.u32 s9, $0x1;
	s11 =	sor.u32 s8, s11  }
0xd: {  	_ =	strace $0x80000047;
	s12 =	ssub.s32 s9, s12;
	s3 =	sadd.s32 s3, s11  }
0xe: {  	s4 =	sadd.s32 s4, s11;
	s5 =	sadd.s32 s5, s11;
	s6 =	sadd.s32 s6, s11  }
0xf: {  	s7 =	sadd.s32 s7, s11;
	s10 =	sadd.s32 s10, s11;
	s8 =	sadd.s32 $0x1000, s6  }
0x10: {  	s9 =	sadd.s32 $0x1000, s7;
	s11 =	smax.u32 s12, $0x1;
	s12 =	simm.s32 $0x400  }
.LBB2_1:
0x11: {  	[tilespmem:s2], [sflag:$0x1] =	stream.strided.gather [hbm4b:s3+s12], $0x2000, s13, s12, $0x38;
	[tilespmem:$0x3800] =	vst v63  }
0x12: {  	_ = 	snop  }
0x13: {  	[tilespmem:s14], [sflag:$0x1] =	stream.linear.gather [hbm4b:s4+s2], $0x400, $0x38;
	[tilespmem:$0x3800] =	vst v63  }
0x14: {  	_ = 	snop  }
0x15: {  	[tilespmem:s15], [sflag:$0x1] =	stream.linear.gather [hbm4b:s5+s2], $0x400, $0x38;
	[tilespmem:$0x3800] =	vst v63  }
0x16: {  	_ = 	snop  }
0x17: {  	[tilespmem:s16], [sflag:$0x1] =	stream.linear.gather [hbm4b:s6+s2], $0x400, $0x38;
	[tilespmem:$0x3800] =	vst v63  }
0x18: {  	_ = 	snop  }
0x19: {  	[tilespmem:s17], [sflag:$0x1] =	stream.linear.gather [hbm4b:s8+s2], $0x380, $0x38;
	[tilespmem:$0x3800] =	vst v63  }
0x1a: {  	_ = 	snop  }
0x1b: {  	[tilespmem:s18], [sflag:$0x1] =	stream.linear.gather [hbm4b:s7+s2], $0x400, $0x38;
	[tilespmem:$0x3800] =	vst v63  }
0x1c: {  	_ = 	snop  }
0x1d: {  	[tilespmem:s19], [sflag:$0x1] =	stream.linear.gather [hbm4b:s9+s2], $0x380, $0x38;
	[tilespmem:$0x3800] =	vst v63  }
0x1e: {  	_ =	swait.ge [sflag:s20], $0x2000  }
0x1f: {  	[sflag:s20] =	ssyncset.done $0x0  }
0x20: {  	[sflag:s20] =	ssyncadd.s32 $0xFFFFE000  }
0x21: {  	_ =	swait.ge [sflag:s20], $0x400  }
0x22: {  	[sflag:s20] =	ssyncset.done $0x0  }
0x23: {  	[sflag:s20] =	ssyncadd.s32 $0xFFFFFC00  }
0x24: {  	_ =	swait.ge [sflag:s20], $0x400  }
0x25: {  	[sflag:s20] =	ssyncset.done $0x0  }
0x26: {  	[sflag:s20] =	ssyncadd.s32 $0xFFFFFC00  }
0x27: {  	_ =	swait.ge [sflag:s20], $0x780  }
0x28: {  	[sflag:s20] =	ssyncset.done $0x0  }
0x29: {  	[sflag:s20] =	ssyncadd.s32 $0xFFFFF880  }
0x2a: {  	_ =	swait.ge [sflag:s20], $0x780  }
0x2b: {  	s23 =	simm.s32 $0x0;
	s24 =	simm.s32 $0x1;
	[sflag:s20] =	ssyncset.done $0x0  }
0x2c: {  	s25 =	sand.u32 $0x3FFFFF80, s23;
	s0 =	sand.u32 $0x7, s24;
	[sflag:s20] =	ssyncadd.s32 $0xFFFFF880  }
0x2d: {  	s24 =	sshll.u32 s0, $0x7;
	v0 =	vld [tilespmem:s25+$0x2470]  }
0x2e: {  	v1 =	vld [tilespmem:s24+$0x2000]  }
0x2f: {  	v2 =	vld [tilespmem:s24+$0x2010]  }
0x30: {  	v3 =	vld [tilespmem:s24+$0x2020]  }
0x31: {  	v4 =	vld [tilespmem:s24+$0x2030]  }
0x32: {  	v5 =	vld [tilespmem:s24+$0x2040]  }
0x33: {  	s26 =	sadd.s32 $0x0, s0;
	v6 =	vld [tilespmem:s24+$0x2050]  }
0x34: {  	s23 =	ssub.s32 $0x0, s0;
	s26 =	sshll.u32 s26, $0x7;
	v7 =	vld [tilespmem:s24+$0x2060]  }
0x35: {  	s23 =	sshll.u32 s23, $0x9;
	s26 =	sand.u32 $0x3FFFFF80, s26;
	v8 =	vld [tilespmem:s24+$0x2070]  }
0x36: {  	s28 =	sshra.s32 s23, $0x2;
	v9 =	vld [tilespmem:s26+$0x2800]  }
0x37: {  	v10 =	vld [tilespmem:s28+$0x3380]  }
0x38: {  	v11 =	vld [tilespmem:s26+$0x2810]  }
0x39: {  	v12 =	vld [tilespmem:s28+$0x3390]  }
0x3a: {  	v13 =	vld [tilespmem:s26+$0x2820]  }
0x3b: {  	v14 =	vld [tilespmem:s28+$0x33A0]  }
0x3c: {  	v15 =	vld [tilespmem:s26+$0x2870]  }
0x3d: {  	v16 =	vld [tilespmem:s28+$0x33F0]  }
0x3e: {  	v17 =	vld [tilespmem:s26+$0x2830]  }
0x3f: {  	v18 =	vld [tilespmem:s28+$0x33B0]  }
0x40: {  	v19 =	vld [tilespmem:s26+$0x2840]  }
0x41: {  	s23 =	simm.s32 $0x0;
	v20 =	vld [tilespmem:s28+$0x33C0]  }
0x42: {  	s29 =	sand.u32 $0x6, s23;
	v21 =	vld [tilespmem:s26+$0x2850]  }
0x43: {  	s30 =	sadd.s32 $0x0, s29;
	v57 =	vld [tilespmem:s28+$0x33D0]  }
0x44: {  	s30 =	sshll.u32 s30, $0x7;
	v22 =	vld [tilespmem:s26+$0x2860]  }
0x45: {  	s30 =	sand.u32 $0x3FFFFF80, s30;
	v58 =	vld [tilespmem:s28+$0x33E0]  }
0x46: {  	v59 =	vld [tilespmem:s30+$0x2800]  }
0x47: {  	v24 =	vld [tilespmem:s30+$0x2810]  }
0x48: {  	v26 =	vld [tilespmem:s30+$0x2820]  }
0x49: {  	v28 =	vld [tilespmem:s30+$0x2830]  }
0x4a: {  	v30 =	vld [tilespmem:s30+$0x2840]  }
0x4b: {  	v32 =	vld [tilespmem:s30+$0x2850]  }
0x4c: {  	v34 =	vld [tilespmem:s30+$0x2860]  }
0x4d: {  	s31 =	sshll.u32 s29, $0x7;
	v36 =	vld [tilespmem:s30+$0x2870]  }
0x4e: {  	v38 =	vld [tilespmem:s31+$0x2000]  }
0x4f: {  	v39 =	vld [tilespmem:s25+$0x2400]  }
0x50: {  	v40 =	vld [tilespmem:s31+$0x2010]  }
0x51: {  	v41 =	vld [tilespmem:s25+$0x2410]  }
0x52: {  	v60 =	vld [tilespmem:s31+$0x2020]  }
0x53: {  	v61 =	vld [tilespmem:s31+$0x2030]  }
0x54: {  	v62 =	vld [tilespmem:s25+$0x2430]  }
0x55: {  	v43 =	vld [tilespmem:s31+$0x2040]  }
0x56: {  	v46 =	vld [tilespmem:s25+$0x2440]  }
0x57: {  	v49 =	vld [tilespmem:s31+$0x2050]  }
0x58: {  	s1 =	ssub.s32 $0x0, s29;
	v52 =	vld [tilespmem:s25+$0x2450]  }
0x59: {  	s26 =	sshll.u32 s1, $0x9;
	v54 =	vld [tilespmem:s31+$0x2060];
	v8 =	vadd.f32 v8, v0  }
0x5a: {  	v56 =	vld [tilespmem:s31+$0x2070];
	s26 =	sshra.s32 s26, $0x2;
	v15 =	vadd.f32 v16, v15;
	v9 =	vadd.f32 v10, v9  }
0x5b: {  	v25 =	vld [tilespmem:s26+$0x3390];
	v10 =	vadd.f32 v12, v11;
	v12 =	vadd.f32 v14, v13  }
0x5c: {  	v27 =	vld [tilespmem:s26+$0x33A0];
	v13 =	vadd.f32 v18, v17;
	v17 =	vadd.f32 v20, v19  }
0x5d: {  	v29 =	vld [tilespmem:s26+$0x33B0];
	v16 =	vadd.f32 v57, v21;
	v51 =	vadd.f32 v39, v38  }
0x5e: {  	v33 =	vld [tilespmem:s26+$0x33D0];
	v1 =	vadd.f32 v1, v39;
	v53 =	vadd.f32 v41, v40  }
0x5f: {  	v35 =	vld [tilespmem:s26+$0x33E0];
	v18 =	vadd.f32 v62, v61;
	v57 =	vadd.f32 v46, v43  }
0x60: {  	v37 =	vld [tilespmem:s26+$0x33F0];
	v2 =	vadd.f32 v2, v41;
	v0 =	vadd.f32 v0, v56  }
0x61: {  	v55 =	vld [tilespmem:s25+$0x2460];
	v8 =	vadd.f32 v15, v8;
	v15 =	vadd.f32 v58, v22  }
0x62: {  	v23 =	vld [tilespmem:s26+$0x3380];
	v63 =	vadd.f32 v25, v24;
	v42 =	vadd.f32 v27, v26  }
0x63: {  	v31 =	vld [tilespmem:s26+$0x33C0];
	v44 =	vadd.f32 v29, v28;
	v47 =	vadd.f32 v33, v32  }
0x64: {  	s24 =	simm.s32 $0x80;
	v14 =	vld [tilespmem:s25+$0x2420];
	v48 =	vadd.f32 v35, v34;
	v1 =	vadd.f32 v9, v1  }
0x65: {  	v50 =	vadd.f32 v37, v36;
	v2 =	vadd.f32 v10, v2;
	[tilespmem:s24+$0x70] =	vst.add.f32.msk $0xffff, v8  }
0x66: {  	v58 =	vadd.f32 v52, v49;
	v20 =	vadd.f32 v63, v53;
	[tilespmem:s24+$0x0] =	vst.add.f32.msk $0xffff, v1  }
0x67: {  	v8 =	vadd.f32 v23, v59;
	v18 =	vadd.f32 v44, v18;
	[tilespmem:s24+$0x10] =	vst.add.f32.msk $0xffff, v2  }
0x68: {  	v59 =	vadd.f32 v55, v54;
	v0 =	vadd.f32 v50, v0;
	[tilespmem:s24+$0xFFFFFF90] =	vst.add.f32.msk $0xffff, v20  }
0x69: {  	v11 =	vadd.f32 v14, v60;
	v60 =	vadd.f32 v47, v58;
	[tilespmem:s24+$0xFFFFFFB0] =	vst.add.f32.msk $0xffff, v18  }
0x6a: {  	v1 =	vadd.f32 v4, v62;
	v8 =	vadd.f32 v8, v51;
	[tilespmem:s24+$0xFFFFFFF0] =	vst.add.f32.msk $0xffff, v0  }
0x6b: {  	v45 =	vadd.f32 v31, v30;
	v61 =	vadd.f32 v48, v59;
	[tilespmem:s24+$0xFFFFFFD0] =	vst.add.f32.msk $0xffff, v60  }
0x6c: {  	v3 =	vadd.f32 v3, v14;
	v63 =	vadd.f32 v13, v1;
	[tilespmem:s24+$0xFFFFFF80] =	vst.add.f32.msk $0xffff, v8  }
0x6d: {  	v62 =	vadd.f32 v5, v46;
	v11 =	vadd.f32 v42, v11;
	[tilespmem:s24+$0xFFFFFFE0] =	vst.add.f32.msk $0xffff, v61  }
0x6e: {  	v0 =	vadd.f32 v6, v52;
	v3 =	vadd.f32 v12, v3;
	[tilespmem:s24+$0x30] =	vst.add.f32.msk $0xffff, v63  }
0x6f: {  	v1 =	vadd.f32 v7, v55;
	v8 =	vadd.f32 v45, v57;
	[tilespmem:s24+$0xFFFFFFA0] =	vst.add.f32.msk $0xffff, v11  }
0x70: {  	v2 =	vadd.f32 v17, v62;
	[tilespmem:s24+$0x20] =	vst.add.f32.msk $0xffff, v3  }
0x71: {  	v0 =	vadd.f32 v16, v0;
	v1 =	vadd.f32 v15, v1;
	[tilespmem:s24+$0xFFFFFFC0] =	vst.add.f32.msk $0xffff, v8  }
.LBB2_2:
0x72: {  	[tilespmem:s24+$0x40] =	vst.add.f32.msk $0xffff, v2;
	s25 =	smov.u32 s23;
	s23 =	sadd.s32 $0x2, s23  }
0x73: {  	s28 =	sand.u32 $0x6, s23;
	s26 =	sshll.u32 s23, $0x4;
	s29 =	sadd.s32 $0x3, s25;
	[tilespmem:s24+$0x50] =	vst.add.f32.msk $0xffff, v0  }
0x74: {  	s25 =	sshll.u32 s28, $0x7;
	s26 =	sand.u32 $0x3FFFFF80, s26;
	s29 =	sand.u32 $0x7, s29;
	[tilespmem:s24+$0x60] =	vst.add.f32.msk $0xffff, v1  }
0x75: {  	p0 =	slt.u32 s23, $0x3E;
	v0 =	vld [tilespmem:s26+$0x2470];
	s30 =	sshll.u32 s29, $0x7  }
0x76: {  	v7 =	vld [tilespmem:s30+$0x2000]  }
0x77: {  	v6 =	vld [tilespmem:s30+$0x2010]  }
0x78: {  	v5 =	vld [tilespmem:s30+$0x2020]  }
0x79: {  	v4 =	vld [tilespmem:s30+$0x2030]  }
0x7a: {  	s31 =	sshrl.u32 s23, $0x3;
	v3 =	vld [tilespmem:s30+$0x2040]  }
0x7b: {  	s0 =	sadd.s32 s28, s31;
	s28 =	ssub.s32 s31, s28;
	s1 =	sadd.s32 s31, s29;
	v2 =	vld [tilespmem:s30+$0x2050]  }
0x7c: {  	s0 =	sshll.u32 s0, $0x7;
	s29 =	ssub.s32 s31, s29;
	s1 =	sshll.u32 s1, $0x7;
	v1 =	vld [tilespmem:s30+$0x2060]  }
0x7d: {  	s28 =	sshll.u32 s28, $0x9;
	s31 =	sshll.u32 s29, $0x9;
	s1 =	sand.u32 $0x3FFFFF80, s1;
	v8 =	vld [tilespmem:s30+$0x2070]  }
0x7e: {  	s29 =	sand.u32 $0x3FFFFF80, s0;
	s28 =	sshra.s32 s28, $0x2;
	s0 =	sshra.s32 s31, $0x2;
	v9 =	vld [tilespmem:s1+$0x2800]  }
0x7f: {  	v10 =	vld [tilespmem:s0+$0x3380]  }
0x80: {  	v11 =	vld [tilespmem:s1+$0x2810]  }
0x81: {  	v12 =	vld [tilespmem:s0+$0x3390]  }
0x82: {  	v13 =	vld [tilespmem:s1+$0x2820]  }
0x83: {  	v14 =	vld [tilespmem:s0+$0x33A0]  }
0x84: {  	v9 =	vadd.f32 v10, v9;
	v10 =	vld [tilespmem:s1+$0x2870]  }
0x85: {  	v15 =	vld [tilespmem:s0+$0x33F0]  }
0x86: {  	v11 =	vadd.f32 v12, v11;
	v12 =	vld [tilespmem:s1+$0x2830]  }
0x87: {  	v16 =	vld [tilespmem:s0+$0x33B0]  }
0x88: {  	v13 =	vadd.f32 v14, v13;
	v14 =	vld [tilespmem:s1+$0x2840]  }
0x89: {  	v17 =	vld [tilespmem:s0+$0x33C0]  }
0x8a: {  	v8 =	vadd.f32 v8, v0;
	v18 =	vld [tilespmem:s1+$0x2850];
	v10 =	vadd.f32 v15, v10  }
0x8b: {  	v15 =	vld [tilespmem:s0+$0x33D0]  }
0x8c: {  	v12 =	vadd.f32 v16, v12;
	v16 =	vld [tilespmem:s1+$0x2860];
	v8 =	vadd.f32 v10, v8  }
0x8d: {  	s24 =	sadd.s32 $0x100, s24;
	v10 =	vld [tilespmem:s0+$0x33E0]  }
0x8e: {  	v14 =	vadd.f32 v17, v14;
	[tilespmem:s24+$0x70] =	vst.add.f32.msk $0xffff, v8  }
0x8f: {  	v8 =	vld [tilespmem:s29+$0x2800]  }
0x90: {  	v17 =	vld [tilespmem:s28+$0x3380];
	v15 =	vadd.f32 v15, v18  }
0x91: {  	v18 =	vld [tilespmem:s29+$0x2810]  }
0x92: {  	v19 =	vld [tilespmem:s28+$0x3390];
	v10 =	vadd.f32 v10, v16  }
0x93: {  	v16 =	vld [tilespmem:s29+$0x2820]  }
0x94: {  	v20 =	vld [tilespmem:s28+$0x33A0]  }
0x95: {  	v8 =	vadd.f32 v17, v8;
	v17 =	vld [tilespmem:s29+$0x2830]  }
0x96: {  	v21 =	vld [tilespmem:s28+$0x33B0]  }
0x97: {  	v18 =	vadd.f32 v19, v18;
	v19 =	vld [tilespmem:s29+$0x2840]  }
0x98: {  	v22 =	vld [tilespmem:s28+$0x33C0]  }
0x99: {  	v16 =	vadd.f32 v20, v16;
	v20 =	vld [tilespmem:s29+$0x2850]  }
0x9a: {  	v23 =	vld [tilespmem:s28+$0x33D0]  }
0x9b: {  	v17 =	vadd.f32 v21, v17;
	v21 =	vld [tilespmem:s29+$0x2860]  }
0x9c: {  	v24 =	vld [tilespmem:s28+$0x33E0]  }
0x9d: {  	v19 =	vadd.f32 v22, v19;
	v22 =	vld [tilespmem:s29+$0x2870]  }
0x9e: {  	v25 =	vld [tilespmem:s28+$0x33F0]  }
0x9f: {  	v26 =	vld [tilespmem:s25+$0x2000];
	v20 =	vadd.f32 v23, v20  }
0xa0: {  	v23 =	vld [tilespmem:s26+$0x2400]  }
0xa1: {  	v27 =	vld [tilespmem:s25+$0x2010];
	v21 =	vadd.f32 v24, v21  }
0xa2: {  	v24 =	vld [tilespmem:s26+$0x2410]  }
0xa3: {  	v28 =	vld [tilespmem:s25+$0x2020];
	v22 =	vadd.f32 v25, v22  }
0xa4: {  	v25 =	vld [tilespmem:s26+$0x2420]  }
0xa5: {  	v26 =	vadd.f32 v23, v26;
	v29 =	vld [tilespmem:s25+$0x2030];
	v7 =	vadd.f32 v7, v23  }
0xa6: {  	v23 =	vld [tilespmem:s26+$0x2430]  }
0xa7: {  	v27 =	vadd.f32 v24, v27;
	v30 =	vld [tilespmem:s25+$0x2040];
	v6 =	vadd.f32 v6, v24  }
0xa8: {  	v8 =	vadd.f32 v8, v26;
	v7 =	vadd.f32 v9, v7;
	v24 =	vld [tilespmem:s26+$0x2440]  }
0xa9: {  	v9 =	vadd.f32 v25, v28;
	v26 =	vld [tilespmem:s25+$0x2050];
	v5 =	vadd.f32 v5, v25  }
0xaa: {  	v18 =	vadd.f32 v18, v27;
	v6 =	vadd.f32 v11, v6;
	v25 =	vld [tilespmem:s26+$0x2450]  }
0xab: {  	v11 =	vadd.f32 v23, v29;
	v27 =	vld [tilespmem:s25+$0x2060];
	v4 =	vadd.f32 v4, v23  }
0xac: {  	v9 =	vadd.f32 v16, v9;
	v5 =	vadd.f32 v13, v5;
	v16 =	vld [tilespmem:s26+$0x2460]  }
0xad: {  	v13 =	vadd.f32 v24, v30;
	v23 =	vld [tilespmem:s25+$0x2070];
	v3 =	vadd.f32 v3, v24  }
0xae: {  	v11 =	vadd.f32 v17, v11;
	v4 =	vadd.f32 v12, v4;
	[tilespmem:s24+$0xFFFFFF80] =	vst.add.f32.msk $0xffff, v8  }
0xaf: {  	v8 =	vadd.f32 v25, v26;
	[tilespmem:s24+$0xFFFFFF90] =	vst.add.f32.msk $0xffff, v18;
	v12 =	vadd.f32 v2, v25  }
0xb0: {  	v13 =	vadd.f32 v19, v13;
	v2 =	vadd.f32 v14, v3;
	[tilespmem:s24+$0xFFFFFFA0] =	vst.add.f32.msk $0xffff, v9  }
0xb1: {  	v3 =	vadd.f32 v16, v27;
	[tilespmem:s24+$0xFFFFFFB0] =	vst.add.f32.msk $0xffff, v11;
	v1 =	vadd.f32 v1, v16  }
0xb2: {  	v8 =	vadd.f32 v20, v8;
	v9 =	vadd.f32 v0, v23;
	[tilespmem:s24+$0xFFFFFFC0] =	vst.add.f32.msk $0xffff, v13  }
0xb3: {  	v0 =	vadd.f32 v15, v12;
	v3 =	vadd.f32 v21, v3;
	[tilespmem:s24+$0x0] =	vst.add.f32.msk $0xffff, v7  }
0xb4: {  	v1 =	vadd.f32 v10, v1;
	v7 =	vadd.f32 v22, v9;
	[tilespmem:s24+$0xFFFFFFD0] =	vst.add.f32.msk $0xffff, v8  }
.Ltmp0:
0xb5: {  	[tilespmem:s24+$0xFFFFFFE0] =	vst.add.f32.msk $0xffff, v3;
	(pc) =	sbr.rel @p0 .LBB2_2-.Ltmp0, $4  }
0xb6: {  	[tilespmem:s24+$0xFFFFFFF0] =	vst.add.f32.msk $0xffff, v7  }
0xb7: {  	[tilespmem:s24+$0x10] =	vst.add.f32.msk $0xffff, v6  }
0xb8: {  	[tilespmem:s24+$0x20] =	vst.add.f32.msk $0xffff, v5  }
0xb9: {  	[tilespmem:s24+$0x30] =	vst.add.f32.msk $0xffff, v4  }
0xba: {  	[tilespmem:s24+$0x40] =	vst.add.f32.msk $0xffff, v2;
	s22 =	sadd.s32 $0x1, s22  }
0xbb: {  	[tilespmem:s24+$0x50] =	vst.add.f32.msk $0xffff, v0;
	p0 =	sne.s32 s22, s11  }
.Ltmp1:
0xbc: {  	[tilespmem:s24+$0x60] =	vst.add.f32.msk $0xffff, v1;
	(pc) =	sbr.rel @p0 .LBB2_1-.Ltmp1, $4  }
0xbd: {  	[hbm4b:s10+s12] =	stream.strided.scatter [tilespmem:s2], [sflag:$0x2], $0x2000, s13, s12, $0x38;
	[tilespmem:$0x3800] =	vst v63  }
0xbe: {  	_ =	swait.ge [sflag:s21], $0x2000  }
0xbf: {  	[sflag:s21] =	ssyncset.done $0x0  }
0xc0: {  	[sflag:s21] =	ssyncadd.s32 $0xFFFFE000  }
0xc1: {  	_ =	sfence.sel $0x180000  }
0xc2: {  	[bflag:$0x0] =	sbarrier.arrive $0xFFFF  }
0xc3: {  	_ =	strace $0x90000047  }
0xc4: {  	s0 =	stileid.u32;
	[bflag:$0x2] =	sbarrier.arrive $0xFFFF  }
0xc5: {  	p0 =	sne.s32 s0, $0x0;
	s0 =	rddreg [dreg:$0x6]  }
0xc6: {  	s0 =	sadd.s32 @!p0 $0x100000, s0  }
0xc7: {  	[sflag:s0] =	ssyncadd.tile.s32 @!p0 $0x1;
	_ =	shalt  }
.Lfunc_end2:
_tile_overlayer_lowered:
.L_overlay_start_2:
0xc8: {  	(tag) =	ssettag $0x2  }
0xc9: {  	s0 =	rddreg [dreg:$0x0];
	s2 =	stileid.u32  }
0xca: {  	s1 =	rddreg [dreg:$0x1];
	p0 =	sne.s32 s2, $0x0  }
0xcb: {  	s3 =	rddreg [dreg:$0x2];
	[bflag:$0x3] =	sbarrier.arrive $0xFFFF;
	s2 =	simm.s32 @!p0 $0x1C02  }
0xcc: {  	[timem:s3], [sflag:s2] =	dma.local @!p0 [hbm:s0], s1  }
0xcd: {  	s0 =	simm.s32 @!p0 $0x2  }
0xce: {  	_ =	swait.ge @!p0 [sflag:s0], s1  }
0xcf: {  	s1 =	ssub.s32 @!p0 $0x0, s1;
	[sflag:s0] =	ssyncset.done @!p0 $0x0  }
0xd0: {  	[sflag:s0] =	ssyncadd.s32 @!p0 s1  }
0xd1: {  	[bflag:$0x3] =	sbarrier.arrive $0xFFFF  }
0xd2: {  	_ =	shalt  }

</sc_bundles>
